<compile_context>
chip_gen: v7x
topology: tpu7x:2x2x1
jax: 0.10.2.dev20260603
libtpu: 0.0.44.dev20260713+nightly
codegen_flags: <defaults>
</compile_context>

<pallas_src>
import functools

import jax
import jax.numpy as jnp
from jax import lax
from jax.experimental import pallas as pl
from jax.experimental.pallas import tpu as pltpu
from jax.experimental.pallas import tpu_sc as plsc

B = 1024
N = 100000
NPAD = 100096
K = 52
NC = 2
NS = 16
NW = NC * NS
ROWS = B // NW
FLAT = ROWS * K
CHUNK_OFFS = (0, 10, 26, 36)


@functools.cache
def _build_singlenet_sc():
    return functools.partial(
        pl.kernel,
        out_type=jax.ShapeDtypeStruct((B,), jnp.float32),
        mesh=plsc.VectorSubcoreMesh(core_axis_name="c", subcore_axis_name="s"),
        compiler_params=pltpu.CompilerParams(needs_layout_passes=False),
        scratch_types=[
            pltpu.VMEM((FLAT,), jnp.int32),
            pltpu.VMEM((FLAT,), jnp.float32),
            pltpu.VMEM((NPAD,), jnp.int32),
            pltpu.VMEM((FLAT,), jnp.float32),
            pltpu.VMEM((ROWS,), jnp.float32),
            pltpu.VMEM((16,), jnp.float32),
            [pltpu.SemaphoreType.DMA] * 2,
        ],
    )(_singlenet_sc)


def _singlenet_sc(edges_hbm, w_hbm, bias_hbm, out_hbm,
                  edges_v, wbuf, stamp, sibuf, outv, bias_v, sems):
    wid = lax.axis_index("s") * NC + lax.axis_index("c")
    base = wid * FLAT

    pltpu.sync_copy(edges_hbm.at[pl.ds(base, FLAT)], edges_v)

    gather = pltpu.async_copy(w_hbm.at[edges_v], wbuf, sems[0])
    bias_copy = pltpu.async_copy(bias_hbm, bias_v, sems[1])

    lanes = lax.iota(jnp.int32, 16)
    ids = [lanes + 16 * c for c in range(4)]
    signs = [jnp.full((16,), s, jnp.float32) for s in (1.0, 1.0, -1.0, -1.0)]
    zero = jnp.zeros((16,), jnp.float32)

    outv[pl.ds(0, 16)] = zero
    outv[pl.ds(16, 16)] = zero

    def _stamp_row(i, _):
        o = i * K
        e = [edges_v[pl.ds(o + off, 16)] for off in CHUNK_OFFS]
        for c in range(4):
            plsc.store_scatter(stamp, [e[c]], ids[c])
        for c, off in enumerate(CHUNK_OFFS):
            s = plsc.load_gather(stamp, [e[c]])
            sibuf[pl.ds(o + off, 16)] = jnp.where(s == ids[c], signs[c], zero)
        return 0

    lax.fori_loop(0, ROWS, _stamp_row, 0, unroll=2)

    gather.wait()

    tail_f = jnp.where(lanes >= 12, 1.0, 0.0).astype(jnp.float32)

    @plsc.parallel_loop(0, ROWS, unroll=2)
    def _product_row(i):
        o = i * K
        acc = sibuf[pl.ds(o, 16)] * wbuf[pl.ds(o, 16)]
        acc = acc + sibuf[pl.ds(o + 16, 16)] * wbuf[pl.ds(o + 16, 16)]
        acc = acc + sibuf[pl.ds(o + 32, 16)] * wbuf[pl.ds(o + 32, 16)]
        acc = acc + sibuf[pl.ds(o + 36, 16)] * wbuf[pl.ds(o + 36, 16)] * tail_f
        plsc.addupdate_scatter(outv, [lanes * 0 + i], acc)

    bias_copy.wait()
    b = bias_v[...]
    for c in range(ROWS // 16):
        x = outv[pl.ds(c * 16, 16)] + b
        outv[pl.ds(c * 16, 16)] = 1.0 / (1.0 + jnp.exp(-x))

    pltpu.sync_copy(outv, out_hbm.at[pl.ds(wid * ROWS, ROWS)])


@jax.jit
def kernel(edges, W, bias):
    edges_flat = edges.reshape(-1)
    w_flat = W.reshape(-1)
    bias16 = jnp.broadcast_to(bias, (16,))
    pred = _build_singlenet_sc()(edges_flat, w_flat, bias16)
    return pred.reshape(B, 1)

# --- scband reference (transcript-rebuilt; emitter-appended) ---
"""Pipeline reference for scband-singlenet-21646635172528 (READ-ONLY COPY).

The authoritative reference and input builder live on the scoring server;
editing this copy changes nothing except your own understanding.
"""

import jax, jax.numpy as jnp
import numpy as np

B = 1024
N = 100000
M = 26
K = 52

def setup_inputs(seed: int = 0) -> dict:
    key = jax.random.key(seed)
    k1, k2, k3 = jax.random.split(key, 3)
    edges = jax.random.randint(k1, (B, K), 0, N, dtype=jnp.int32)
    # nn.Linear(N, 1): weight [1, N], bias [1]
    bound = 1.0 / np.sqrt(N)
    W = jax.random.uniform(k2, (1, N), minval=-bound, maxval=bound, dtype=jnp.float32)
    bias = jax.random.uniform(k3, (1,), minval=-bound, maxval=bound, dtype=jnp.float32)
    return {"edges": edges, "W": W, "bias": bias}

def reference(edges, W, bias):
    edges = edges.astype(jnp.int32)
    b = edges.shape[0]
    idx = jnp.repeat(jnp.arange(b, dtype=jnp.int32), K).reshape(b, K)
    idx_A = idx[:, :M].reshape(-1)
    edges_A = edges[:, :M].reshape(-1)
    idx_B = idx[:, M:].reshape(-1)
    edges_B = edges[:, M:].reshape(-1)
    single_input = jnp.zeros((b, N), dtype=jnp.float32)
    single_input = single_input.at[idx_A, edges_A].set(1.0)
    single_input = single_input.at[idx_B, edges_B].set(-1.0)
    pred_logit = single_input @ W.T + bias
    pred = jax.nn.sigmoid(pred_logit)
    return pred

if __name__ == "__main__":
    import jax
    _d = setup_inputs()
    print(jax.jit(kernel)(*tuple(_d.values())))

</pallas_src>

<mosaic_0001>
#map = affine_map<(d0, d1) -> (0)>
module attributes {stable_mosaic.version = 14 : i64} {
  func.func @_singlenet_sc(%arg0: i32, %arg1: i32, %arg2: memref<53248xi32, #tpu.memory_space<hbm>>, %arg3: memref<100000xf32, #tpu.memory_space<hbm>>, %arg4: memref<16xf32, #tpu.memory_space<hbm>>, %arg5: memref<1024xf32, #tpu.memory_space<hbm>>, %arg6: memref<1664xi32, #tpu.memory_space<vmem>>, %arg7: memref<1664xf32, #tpu.memory_space<vmem>>, %arg8: memref<100096xi32, #tpu.memory_space<vmem>>, %arg9: memref<1664xf32, #tpu.memory_space<vmem>>, %arg10: memref<32xf32, #tpu.memory_space<vmem>>, %arg11: memref<16xf32, #tpu.memory_space<vmem>>, %arg12: memref<!tpu.dma_semaphore, #tpu.memory_space<semaphore_mem>>, %arg13: memref<!tpu.dma_semaphore, #tpu.memory_space<semaphore_mem>>) attributes {dimension_semantics = [#tpu.dimension_semantics<core_parallel>, #tpu.dimension_semantics<subcore_parallel>], iteration_bounds = array<i64: 2, 16>, scalar_prefetch = 0 : i64, scratch_operands = 8 : i64, tpu.core_type = #tpu.core_type<sc_vector_subcore>, window_params = [{transform_indices = #map}, {transform_indices = #map}, {transform_indices = #map}, {transform_indices = #map}]} {
    %mul3A = arith.constant 2 : i32
    %mul3A_0 = arith.muli %arg1, %mul3A : i32
    %add3A = arith.addi %mul3A_0, %arg0 : i32
    %mul3A_1 = arith.constant 1664 : i32
    %mul3A_2 = arith.muli %add3A, %mul3A_1 : i32
    "tpu.region"() ({
      %run_scoped3A = tpu.sem_alloc : memref<!tpu.dma_semaphore, #tpu.memory_space<semaphore_mem>>
      %dma_start3A_72 = tpu.memref_slice %arg2[%mul3A_2] : memref<53248xi32, #tpu.memory_space<hbm>> -> memref<1664xi32, #tpu.memory_space<hbm>>
      %dma_start3A_73 = tpu.memref_slice %arg2[%mul3A_2] : memref<53248xi32, #tpu.memory_space<hbm>> -> memref<1664xi32, #tpu.memory_space<hbm>>
      tpu.enqueue_dma source(%dma_start3A_73 : memref<1664xi32, #tpu.memory_space<hbm>>) target(%arg6 : memref<1664xi32, #tpu.memory_space<vmem>>) target_semaphore(%run_scoped3A : memref<!tpu.dma_semaphore, #tpu.memory_space<semaphore_mem>>)
      %dma_wait3A_74 = tpu.memref_slice %arg2[%mul3A_2] : memref<53248xi32, #tpu.memory_space<hbm>> -> memref<1664xi32, #tpu.memory_space<hbm>>
      %dma_wait3A_75 = tpu.memref_slice %arg2[%mul3A_2] : memref<53248xi32, #tpu.memory_space<hbm>> -> memref<1664xi32, #tpu.memory_space<hbm>>
      tpu.wait_dma2 semaphore(%run_scoped3A : memref<!tpu.dma_semaphore, #tpu.memory_space<semaphore_mem>>) src(%dma_wait3A_75 : memref<1664xi32, #tpu.memory_space<hbm>>) dst(%arg6 : memref<1664xi32, #tpu.memory_space<vmem>>)
      tpu.yield
    }) : () -> ()
    %dma_start3A = arith.constant 0 : i32
    %dma_start3A_3 = tpu.memref_slice %arg3[%dma_start3A] : memref<100000xf32, #tpu.memory_space<hbm>> -> memref<100000xf32, #tpu.memory_space<hbm>>
    tpu.enqueue_indirect_dma source(%dma_start3A_3 : memref<100000xf32, #tpu.memory_space<hbm>>) target(%arg7 : memref<1664xf32, #tpu.memory_space<vmem>>) offsets(%arg6 : memref<1664xi32, #tpu.memory_space<vmem>>) semaphore(%arg12 : memref<!tpu.dma_semaphore, #tpu.memory_space<semaphore_mem>>)
    tpu.enqueue_dma source(%arg4 : memref<16xf32, #tpu.memory_space<hbm>>) target(%arg11 : memref<16xf32, #tpu.memory_space<vmem>>) target_semaphore(%arg13 : memref<!tpu.dma_semaphore, #tpu.memory_space<semaphore_mem>>)
    %iota3A = tpu.iota {dimensions = array<i32: 0>} : vector<16xi32>
    %add3A_4 = arith.constant 0 : i32
    %add3A_5 = vector.broadcast %add3A_4 : i32 to vector<16xi32>
    %add3A_6 = arith.addi %iota3A, %add3A_5 : vector<16xi32>
    %add3A_7 = arith.constant 16 : i32
    %add3A_8 = vector.broadcast %add3A_7 : i32 to vector<16xi32>
    %add3A_9 = arith.addi %iota3A, %add3A_8 : vector<16xi32>
    %add3A_10 = arith.constant 32 : i32
    %add3A_11 = vector.broadcast %add3A_10 : i32 to vector<16xi32>
    %add3A_12 = arith.addi %iota3A, %add3A_11 : vector<16xi32>
    %add3A_13 = arith.constant 48 : i32
    %add3A_14 = vector.broadcast %add3A_13 : i32 to vector<16xi32>
    %add3A_15 = arith.addi %iota3A, %add3A_14 : vector<16xi32>
    %broadcast_in_dim3A = arith.constant 1.000000e+00 : f32
    %broadcast_in_dim3A_16 = vector.broadcast %broadcast_in_dim3A : f32 to vector<16xf32>
    %broadcast_in_dim3A_17 = arith.constant 1.000000e+00 : f32
    %broadcast_in_dim3A_18 = vector.broadcast %broadcast_in_dim3A_17 : f32 to vector<16xf32>
    %broadcast_in_dim3A_19 = arith.constant -1.000000e+00 : f32
    %broadcast_in_dim3A_20 = vector.broadcast %broadcast_in_dim3A_19 : f32 to vector<16xf32>
    %broadcast_in_dim3A_21 = arith.constant -1.000000e+00 : f32
    %broadcast_in_dim3A_22 = vector.broadcast %broadcast_in_dim3A_21 : f32 to vector<16xf32>
    %broadcast_in_dim3A_23 = arith.constant 0.000000e+00 : f32
    %broadcast_in_dim3A_24 = vector.broadcast %broadcast_in_dim3A_23 : f32 to vector<16xf32>
    %swap3A = arith.constant 0 : index
    %swap3A_25 = tpu.vector_load %arg10[%swap3A] {strides = array<i32>} : memref<32xf32, #tpu.memory_space<vmem>>, vector<16xf32>,
    tpu.vector_store %arg10[%swap3A], %broadcast_in_dim3A_24 {strides = array<i32>} : memref<32xf32, #tpu.memory_space<vmem>>, vector<16xf32>,
    %swap3A_26 = arith.constant 16 : index
    %swap3A_27 = tpu.vector_load %arg10[%swap3A_26] {strides = array<i32>} : memref<32xf32, #tpu.memory_space<vmem>>, vector<16xf32>,
    tpu.vector_store %arg10[%swap3A_26], %broadcast_in_dim3A_24 {strides = array<i32>} : memref<32xf32, #tpu.memory_space<vmem>>, vector<16xf32>,
    %scan3A = arith.constant 0 : i32
    %scan3A_28 = arith.constant 0 : i32
    %scan3A_29 = arith.constant 32 : i32
    %scan3A_30 = arith.addi %scan3A_28, %scan3A_29 : i32
    %scan3A_31 = arith.constant 2 : i32
    %scan3A_32 = scf.for %scan3A_72 = %scan3A_28 to %scan3A_30 step %scan3A_31 iter_args(%scan3A_73 = %scan3A) -> (i32)  : i32 {
      %mul3A_74 = arith.constant 52 : i32
      %mul3A_75 = arith.muli %scan3A_72, %mul3A_74 : i32
      %add3A_76 = arith.constant 0 : i32
      %add3A_77 = arith.addi %mul3A_75, %add3A_76 : i32
      %get3A_78 = arith.index_cast %add3A_77 : i32 to index
      %get3A_79 = tpu.vector_load %arg6[%get3A_78] {strides = array<i32>} : memref<1664xi32, #tpu.memory_space<vmem>>, vector<16xi32>,
      %add3A_80 = arith.constant 10 : i32
      %add3A_81 = arith.addi %mul3A_75, %add3A_80 : i32
      %get3A_82 = arith.index_cast %add3A_81 : i32 to index
      %get3A_83 = tpu.vector_load %arg6[%get3A_82] {strides = array<i32>} : memref<1664xi32, #tpu.memory_space<vmem>>, vector<16xi32>,
      %add3A_84 = arith.constant 26 : i32
      %add3A_85 = arith.addi %mul3A_75, %add3A_84 : i32
      %get3A_86 = arith.index_cast %add3A_85 : i32 to index
      %get3A_87 = tpu.vector_load %arg6[%get3A_86] {strides = array<i32>} : memref<1664xi32, #tpu.memory_space<vmem>>, vector<16xi32>,
      %add3A_88 = arith.constant 36 : i32
      %add3A_89 = arith.addi %mul3A_75, %add3A_88 : i32
      %get3A_90 = arith.index_cast %add3A_89 : i32 to index
      %get3A_91 = tpu.vector_load %arg6[%get3A_90] {strides = array<i32>} : memref<1664xi32, #tpu.memory_space<vmem>>, vector<16xi32>,
      tpu.vector_store_idx %arg8[%get3A_79], %add3A_6 : memref<100096xi32, #tpu.memory_space<vmem>>[vector<16xi32>], vector<16xi32>,
      tpu.vector_store_idx %arg8[%get3A_83], %add3A_9 : memref<100096xi32, #tpu.memory_space<vmem>>[vector<16xi32>], vector<16xi32>,
      tpu.vector_store_idx %arg8[%get3A_87], %add3A_12 : memref<100096xi32, #tpu.memory_space<vmem>>[vector<16xi32>], vector<16xi32>,
      tpu.vector_store_idx %arg8[%get3A_91], %add3A_15 : memref<100096xi32, #tpu.memory_space<vmem>>[vector<16xi32>], vector<16xi32>,
      %gather3A = tpu.vector_load_idx %arg8[%get3A_79] : memref<100096xi32, #tpu.memory_space<vmem>>[vector<16xi32>], vector<16xi32>,
      %eq3A = arith.cmpi eq, %gather3A, %add3A_6 : vector<16xi32>
      %select_n3A_92 = arith.select %eq3A, %broadcast_in_dim3A_16, %broadcast_in_dim3A_24 : vector<16xi1>, vector<16xf32>
      %add3A_93 = arith.constant 0 : i32
      %add3A_94 = arith.addi %mul3A_75, %add3A_93 : i32
      %swap3A_95 = arith.index_cast %add3A_94 : i32 to index
      %swap3A_96 = tpu.vector_load %arg9[%swap3A_95] {strides = array<i32>} : memref<1664xf32, #tpu.memory_space<vmem>>, vector<16xf32>,
      tpu.vector_store %arg9[%swap3A_95], %select_n3A_92 {strides = array<i32>} : memref<1664xf32, #tpu.memory_space<vmem>>, vector<16xf32>,
      %gather3A_97 = tpu.vector_load_idx %arg8[%get3A_83] : memref<100096xi32, #tpu.memory_space<vmem>>[vector<16xi32>], vector<16xi32>,
      %eq3A_98 = arith.cmpi eq, %gather3A_97, %add3A_9 : vector<16xi32>
      %select_n3A_99 = arith.select %eq3A_98, %broadcast_in_dim3A_18, %broadcast_in_dim3A_24 : vector<16xi1>, vector<16xf32>
      %add3A_100 = arith.constant 10 : i32
      %add3A_101 = arith.addi %mul3A_75, %add3A_100 : i32
      %swap3A_102 = arith.index_cast %add3A_101 : i32 to index
      %swap3A_103 = tpu.vector_load %arg9[%swap3A_102] {strides = array<i32>} : memref<1664xf32, #tpu.memory_space<vmem>>, vector<16xf32>,
      tpu.vector_store %arg9[%swap3A_102], %select_n3A_99 {strides = array<i32>} : memref<1664xf32, #tpu.memory_space<vmem>>, vector<16xf32>,
      %gather3A_104 = tpu.vector_load_idx %arg8[%get3A_87] : memref<100096xi32, #tpu.memory_space<vmem>>[vector<16xi32>], vector<16xi32>,
      %eq3A_105 = arith.cmpi eq, %gather3A_104, %add3A_12 : vector<16xi32>
      %select_n3A_106 = arith.select %eq3A_105, %broadcast_in_dim3A_20, %broadcast_in_dim3A_24 : vector<16xi1>, vector<16xf32>
      %add3A_107 = arith.constant 26 : i32
      %add3A_108 = arith.addi %mul3A_75, %add3A_107 : i32
      %swap3A_109 = arith.index_cast %add3A_108 : i32 to index
      %swap3A_110 = tpu.vector_load %arg9[%swap3A_109] {strides = array<i32>} : memref<1664xf32, #tpu.memory_space<vmem>>, vector<16xf32>,
      tpu.vector_store %arg9[%swap3A_109], %select_n3A_106 {strides = array<i32>} : memref<1664xf32, #tpu.memory_space<vmem>>, vector<16xf32>,
      %gather3A_111 = tpu.vector_load_idx %arg8[%get3A_91] : memref<100096xi32, #tpu.memory_space<vmem>>[vector<16xi32>], vector<16xi32>,
      %eq3A_112 = arith.cmpi eq, %gather3A_111, %add3A_15 : vector<16xi32>
      %select_n3A_113 = arith.select %eq3A_112, %broadcast_in_dim3A_22, %broadcast_in_dim3A_24 : vector<16xi1>, vector<16xf32>
      %add3A_114 = arith.constant 36 : i32
      %add3A_115 = arith.addi %mul3A_75, %add3A_114 : i32
      %swap3A_116 = arith.index_cast %add3A_115 : i32 to index
      %swap3A_117 = tpu.vector_load %arg9[%swap3A_116] {strides = array<i32>} : memref<1664xf32, #tpu.memory_space<vmem>>, vector<16xf32>,
      tpu.vector_store %arg9[%swap3A_116], %select_n3A_113 {strides = array<i32>} : memref<1664xf32, #tpu.memory_space<vmem>>, vector<16xf32>,
      %scan3A_118 = arith.constant 0 : i32
      %scan3A_119 = arith.constant 1 : i32
      %scan3A_120 = arith.addi %scan3A_72, %scan3A_119 : i32
      %mul3A_121 = arith.constant 52 : i32
      %mul3A_122 = arith.muli %scan3A_120, %mul3A_121 : i32
      %add3A_123 = arith.constant 0 : i32
      %add3A_124 = arith.addi %mul3A_122, %add3A_123 : i32
      %get3A_125 = arith.index_cast %add3A_124 : i32 to index
      %get3A_126 = tpu.vector_load %arg6[%get3A_125] {strides = array<i32>} : memref<1664xi32, #tpu.memory_space<vmem>>, vector<16xi32>,
      %add3A_127 = arith.constant 10 : i32
      %add3A_128 = arith.addi %mul3A_122, %add3A_127 : i32
      %get3A_129 = arith.index_cast %add3A_128 : i32 to index
      %get3A_130 = tpu.vector_load %arg6[%get3A_129] {strides = array<i32>} : memref<1664xi32, #tpu.memory_space<vmem>>, vector<16xi32>,
      %add3A_131 = arith.constant 26 : i32
      %add3A_132 = arith.addi %mul3A_122, %add3A_131 : i32
      %get3A_133 = arith.index_cast %add3A_132 : i32 to index
      %get3A_134 = tpu.vector_load %arg6[%get3A_133] {strides = array<i32>} : memref<1664xi32, #tpu.memory_space<vmem>>, vector<16xi32>,
      %add3A_135 = arith.constant 36 : i32
      %add3A_136 = arith.addi %mul3A_122, %add3A_135 : i32
      %get3A_137 = arith.index_cast %add3A_136 : i32 to index
      %get3A_138 = tpu.vector_load %arg6[%get3A_137] {strides = array<i32>} : memref<1664xi32, #tpu.memory_space<vmem>>, vector<16xi32>,
      tpu.vector_store_idx %arg8[%get3A_126], %add3A_6 : memref<100096xi32, #tpu.memory_space<vmem>>[vector<16xi32>], vector<16xi32>,
      tpu.vector_store_idx %arg8[%get3A_130], %add3A_9 : memref<100096xi32, #tpu.memory_space<vmem>>[vector<16xi32>], vector<16xi32>,
      tpu.vector_store_idx %arg8[%get3A_134], %add3A_12 : memref<100096xi32, #tpu.memory_space<vmem>>[vector<16xi32>], vector<16xi32>,
      tpu.vector_store_idx %arg8[%get3A_138], %add3A_15 : memref<100096xi32, #tpu.memory_space<vmem>>[vector<16xi32>], vector<16xi32>,
      %gather3A_139 = tpu.vector_load_idx %arg8[%get3A_126] : memref<100096xi32, #tpu.memory_space<vmem>>[vector<16xi32>], vector<16xi32>,
      %eq3A_140 = arith.cmpi eq, %gather3A_139, %add3A_6 : vector<16xi32>
      %select_n3A_141 = arith.select %eq3A_140, %broadcast_in_dim3A_16, %broadcast_in_dim3A_24 : vector<16xi1>, vector<16xf32>
      %add3A_142 = arith.constant 0 : i32
      %add3A_143 = arith.addi %mul3A_122, %add3A_142 : i32
      %swap3A_144 = arith.index_cast %add3A_143 : i32 to index
      %swap3A_145 = tpu.vector_load %arg9[%swap3A_144] {strides = array<i32>} : memref<1664xf32, #tpu.memory_space<vmem>>, vector<16xf32>,
      tpu.vector_store %arg9[%swap3A_144], %select_n3A_141 {strides = array<i32>} : memref<1664xf32, #tpu.memory_space<vmem>>, vector<16xf32>,
      %gather3A_146 = tpu.vector_load_idx %arg8[%get3A_130] : memref<100096xi32, #tpu.memory_space<vmem>>[vector<16xi32>], vector<16xi32>,
      %eq3A_147 = arith.cmpi eq, %gather3A_146, %add3A_9 : vector<16xi32>
      %select_n3A_148 = arith.select %eq3A_147, %broadcast_in_dim3A_18, %broadcast_in_dim3A_24 : vector<16xi1>, vector<16xf32>
      %add3A_149 = arith.constant 10 : i32
      %add3A_150 = arith.addi %mul3A_122, %add3A_149 : i32
      %swap3A_151 = arith.index_cast %add3A_150 : i32 to index
      %swap3A_152 = tpu.vector_load %arg9[%swap3A_151] {strides = array<i32>} : memref<1664xf32, #tpu.memory_space<vmem>>, vector<16xf32>,
      tpu.vector_store %arg9[%swap3A_151], %select_n3A_148 {strides = array<i32>} : memref<1664xf32, #tpu.memory_space<vmem>>, vector<16xf32>,
      %gather3A_153 = tpu.vector_load_idx %arg8[%get3A_134] : memref<100096xi32, #tpu.memory_space<vmem>>[vector<16xi32>], vector<16xi32>,
      %eq3A_154 = arith.cmpi eq, %gather3A_153, %add3A_12 : vector<16xi32>
      %select_n3A_155 = arith.select %eq3A_154, %broadcast_in_dim3A_20, %broadcast_in_dim3A_24 : vector<16xi1>, vector<16xf32>
      %add3A_156 = arith.constant 26 : i32
      %add3A_157 = arith.addi %mul3A_122, %add3A_156 : i32
      %swap3A_158 = arith.index_cast %add3A_157 : i32 to index
      %swap3A_159 = tpu.vector_load %arg9[%swap3A_158] {strides = array<i32>} : memref<1664xf32, #tpu.memory_space<vmem>>, vector<16xf32>,
      tpu.vector_store %arg9[%swap3A_158], %select_n3A_155 {strides = array<i32>} : memref<1664xf32, #tpu.memory_space<vmem>>, vector<16xf32>,
      %gather3A_160 = tpu.vector_load_idx %arg8[%get3A_138] : memref<100096xi32, #tpu.memory_space<vmem>>[vector<16xi32>], vector<16xi32>,
      %eq3A_161 = arith.cmpi eq, %gather3A_160, %add3A_15 : vector<16xi32>
      %select_n3A_162 = arith.select %eq3A_161, %broadcast_in_dim3A_22, %broadcast_in_dim3A_24 : vector<16xi1>, vector<16xf32>
      %add3A_163 = arith.constant 36 : i32
      %add3A_164 = arith.addi %mul3A_122, %add3A_163 : i32
      %swap3A_165 = arith.index_cast %add3A_164 : i32 to index
      %swap3A_166 = tpu.vector_load %arg9[%swap3A_165] {strides = array<i32>} : memref<1664xf32, #tpu.memory_space<vmem>>, vector<16xf32>,
      tpu.vector_store %arg9[%swap3A_165], %select_n3A_162 {strides = array<i32>} : memref<1664xf32, #tpu.memory_space<vmem>>, vector<16xf32>,
      %scan3A_167 = arith.constant 0 : i32
      scf.yield %scan3A_167 : i32
    }
    %scan3A_33 = arith.constant 32 : i32
    %dma_wait3A = arith.constant 0 : i32
    %dma_wait3A_34 = tpu.memref_slice %arg3[%dma_wait3A] : memref<100000xf32, #tpu.memory_space<hbm>> -> memref<100000xf32, #tpu.memory_space<hbm>>
    tpu.wait_indirect_dma semaphore(%arg12 : memref<!tpu.dma_semaphore, #tpu.memory_space<semaphore_mem>>) src(%dma_wait3A_34 : memref<100000xf32, #tpu.memory_space<hbm>>) dst(%arg7 : memref<1664xf32, #tpu.memory_space<vmem>>)
    %ge3A = arith.constant 12 : i32
    %ge3A_35 = vector.broadcast %ge3A : i32 to vector<16xi32>
    %ge3A_36 = arith.cmpi sge, %iota3A, %ge3A_35 : vector<16xi32>
    %jit3A = arith.constant 1.000000e+00 : f32
    %jit3A_37 = arith.constant 0.000000e+00 : f32
    %broadcast_in_dim3A_38 = vector.broadcast %jit3A : f32 to vector<16xf32>
    %broadcast_in_dim3A_39 = vector.broadcast %jit3A_37 : f32 to vector<16xf32>
    %select_n3A = arith.select %ge3A_36, %broadcast_in_dim3A_38, %broadcast_in_dim3A_39 : vector<16xi1>, vector<16xf32>
    %parallel_loop3A = arith.constant 0 : i32
    %parallel_loop3A_40 = arith.constant 32 : i32
    %parallel_loop3A_41 = arith.constant 1 : i32
    scf.for %parallel_loop3A_72 = %parallel_loop3A to %parallel_loop3A_40 step %parallel_loop3A_41  : i32 {
      %parallel_loop3A_73 = arith.constant 52 : i32
      %parallel_loop3A_74 = arith.muli %parallel_loop3A_72, %parallel_loop3A_73 : i32
      %parallel_loop3A_75 = arith.index_cast %parallel_loop3A_74 : i32 to index
      %parallel_loop3A_76 = tpu.vector_load %arg9[%parallel_loop3A_75] {strides = array<i32>} : memref<1664xf32, #tpu.memory_space<vmem>>, vector<16xf32>,
      %parallel_loop3A_77 = arith.index_cast %parallel_loop3A_74 : i32 to index
      %parallel_loop3A_78 = tpu.vector_load %arg7[%parallel_loop3A_77] {strides = array<i32>} : memref<1664xf32, #tpu.memory_space<vmem>>, vector<16xf32>,
      %parallel_loop3A_79 = arith.mulf %parallel_loop3A_76, %parallel_loop3A_78 : vector<16xf32>
      %parallel_loop3A_80 = arith.constant 16 : i32
      %parallel_loop3A_81 = arith.addi %parallel_loop3A_74, %parallel_loop3A_80 : i32
      %parallel_loop3A_82 = arith.index_cast %parallel_loop3A_81 : i32 to index
      %parallel_loop3A_83 = tpu.vector_load %arg9[%parallel_loop3A_82] {strides = array<i32>} : memref<1664xf32, #tpu.memory_space<vmem>>, vector<16xf32>,
      %parallel_loop3A_84 = arith.constant 16 : i32
      %parallel_loop3A_85 = arith.addi %parallel_loop3A_74, %parallel_loop3A_84 : i32
      %parallel_loop3A_86 = arith.index_cast %parallel_loop3A_85 : i32 to index
      %parallel_loop3A_87 = tpu.vector_load %arg7[%parallel_loop3A_86] {strides = array<i32>} : memref<1664xf32, #tpu.memory_space<vmem>>, vector<16xf32>,
      %parallel_loop3A_88 = arith.mulf %parallel_loop3A_83, %parallel_loop3A_87 : vector<16xf32>
      %parallel_loop3A_89 = arith.addf %parallel_loop3A_79, %parallel_loop3A_88 : vector<16xf32>
      %parallel_loop3A_90 = arith.constant 32 : i32
      %parallel_loop3A_91 = arith.addi %parallel_loop3A_74, %parallel_loop3A_90 : i32
      %parallel_loop3A_92 = arith.index_cast %parallel_loop3A_91 : i32 to index
      %parallel_loop3A_93 = tpu.vector_load %arg9[%parallel_loop3A_92] {strides = array<i32>} : memref<1664xf32, #tpu.memory_space<vmem>>, vector<16xf32>,
      %parallel_loop3A_94 = arith.constant 32 : i32
      %parallel_loop3A_95 = arith.addi %parallel_loop3A_74, %parallel_loop3A_94 : i32
      %parallel_loop3A_96 = arith.index_cast %parallel_loop3A_95 : i32 to index
      %parallel_loop3A_97 = tpu.vector_load %arg7[%parallel_loop3A_96] {strides = array<i32>} : memref<1664xf32, #tpu.memory_space<vmem>>, vector<16xf32>,
      %parallel_loop3A_98 = arith.mulf %parallel_loop3A_93, %parallel_loop3A_97 : vector<16xf32>
      %parallel_loop3A_99 = arith.addf %parallel_loop3A_89, %parallel_loop3A_98 : vector<16xf32>
      %parallel_loop3A_100 = arith.constant 36 : i32
      %parallel_loop3A_101 = arith.addi %parallel_loop3A_74, %parallel_loop3A_100 : i32
      %parallel_loop3A_102 = arith.index_cast %parallel_loop3A_101 : i32 to index
      %parallel_loop3A_103 = tpu.vector_load %arg9[%parallel_loop3A_102] {strides = array<i32>} : memref<1664xf32, #tpu.memory_space<vmem>>, vector<16xf32>,
      %parallel_loop3A_104 = arith.constant 36 : i32
      %parallel_loop3A_105 = arith.addi %parallel_loop3A_74, %parallel_loop3A_104 : i32
      %parallel_loop3A_106 = arith.index_cast %parallel_loop3A_105 : i32 to index
      %parallel_loop3A_107 = tpu.vector_load %arg7[%parallel_loop3A_106] {strides = array<i32>} : memref<1664xf32, #tpu.memory_space<vmem>>, vector<16xf32>,
      %parallel_loop3A_108 = arith.mulf %parallel_loop3A_103, %parallel_loop3A_107 : vector<16xf32>
      %parallel_loop3A_109 = arith.mulf %parallel_loop3A_108, %select_n3A : vector<16xf32>
      %parallel_loop3A_110 = arith.addf %parallel_loop3A_99, %parallel_loop3A_109 : vector<16xf32>
      %parallel_loop3A_111 = arith.constant 0 : i32
      %parallel_loop3A_112 = vector.broadcast %parallel_loop3A_111 : i32 to vector<16xi32>
      %parallel_loop3A_113 = arith.muli %iota3A, %parallel_loop3A_112 : vector<16xi32>
      %parallel_loop3A_114 = vector.broadcast %parallel_loop3A_72 : i32 to vector<16xi32>
      %parallel_loop3A_115 = arith.addi %parallel_loop3A_113, %parallel_loop3A_114 : vector<16xi32>
      tpu.vector_store_idx %arg10[%parallel_loop3A_115], %parallel_loop3A_110 {add = true} : memref<32xf32, #tpu.memory_space<vmem>>[vector<16xi32>], vector<16xf32>,
    } {sc.loop_unroll_factor = 2 : i64, sc.parallel_access}
    tpu.wait_dma2 semaphore(%arg13 : memref<!tpu.dma_semaphore, #tpu.memory_space<semaphore_mem>>) src(%arg4 : memref<16xf32, #tpu.memory_space<hbm>>) dst(%arg11 : memref<16xf32, #tpu.memory_space<vmem>>)
    %get3A = arith.constant 0 : index
    %get3A_42 = tpu.vector_load %arg11[%get3A] {strides = array<i32>} : memref<16xf32, #tpu.memory_space<vmem>>, vector<16xf32>,
    %get3A_43 = arith.constant 0 : index
    %get3A_44 = tpu.vector_load %arg10[%get3A_43] {strides = array<i32>} : memref<32xf32, #tpu.memory_space<vmem>>, vector<16xf32>,
    %add3A_45 = arith.addf %get3A_44, %get3A_42 : vector<16xf32>
    %neg3A = arith.constant 0.000000e+00 : f32
    %neg3A_46 = vector.broadcast %neg3A : f32 to vector<16xf32>
    %neg3A_47 = arith.subf %neg3A_46, %add3A_45 : vector<16xf32>
    %exp3A = math.exp %neg3A_47 : vector<16xf32>
    %add3A_48 = arith.constant 1.000000e+00 : f32
    %add3A_49 = vector.broadcast %add3A_48 : f32 to vector<16xf32>
    %add3A_50 = arith.addf %add3A_49, %exp3A : vector<16xf32>
    %div3A = arith.constant 1.000000e+00 : f32
    %div3A_51 = vector.broadcast %div3A : f32 to vector<16xf32>
    %div3A_52 = arith.divf %div3A_51, %add3A_50 : vector<16xf32>
    %swap3A_53 = arith.constant 0 : index
    %swap3A_54 = tpu.vector_load %arg10[%swap3A_53] {strides = array<i32>} : memref<32xf32, #tpu.memory_space<vmem>>, vector<16xf32>,
    tpu.vector_store %arg10[%swap3A_53], %div3A_52 {strides = array<i32>} : memref<32xf32, #tpu.memory_space<vmem>>, vector<16xf32>,
    %get3A_55 = arith.constant 16 : index
    %get3A_56 = tpu.vector_load %arg10[%get3A_55] {strides = array<i32>} : memref<32xf32, #tpu.memory_space<vmem>>, vector<16xf32>,
    %add3A_57 = arith.addf %get3A_56, %get3A_42 : vector<16xf32>
    %neg3A_58 = arith.constant 0.000000e+00 : f32
    %neg3A_59 = vector.broadcast %neg3A_58 : f32 to vector<16xf32>
    %neg3A_60 = arith.subf %neg3A_59, %add3A_57 : vector<16xf32>
    %exp3A_61 = math.exp %neg3A_60 : vector<16xf32>
    %add3A_62 = arith.constant 1.000000e+00 : f32
    %add3A_63 = vector.broadcast %add3A_62 : f32 to vector<16xf32>
    %add3A_64 = arith.addf %add3A_63, %exp3A_61 : vector<16xf32>
    %div3A_65 = arith.constant 1.000000e+00 : f32
    %div3A_66 = vector.broadcast %div3A_65 : f32 to vector<16xf32>
    %div3A_67 = arith.divf %div3A_66, %add3A_64 : vector<16xf32>
    %swap3A_68 = arith.constant 16 : index
    %swap3A_69 = tpu.vector_load %arg10[%swap3A_68] {strides = array<i32>} : memref<32xf32, #tpu.memory_space<vmem>>, vector<16xf32>,
    tpu.vector_store %arg10[%swap3A_68], %div3A_67 {strides = array<i32>} : memref<32xf32, #tpu.memory_space<vmem>>, vector<16xf32>,
    %mul3A_70 = arith.constant 32 : i32
    %mul3A_71 = arith.muli %add3A, %mul3A_70 : i32
    "tpu.region"() ({
      %run_scoped3A = tpu.sem_alloc : memref<!tpu.dma_semaphore, #tpu.memory_space<semaphore_mem>>
      %dma_start3A_72 = tpu.memref_slice %arg5[%mul3A_71] : memref<1024xf32, #tpu.memory_space<hbm>> -> memref<32xf32, #tpu.memory_space<hbm>>
      %dma_start3A_73 = tpu.memref_slice %arg5[%mul3A_71] : memref<1024xf32, #tpu.memory_space<hbm>> -> memref<32xf32, #tpu.memory_space<hbm>>
      tpu.enqueue_dma source(%arg10 : memref<32xf32, #tpu.memory_space<vmem>>) target(%dma_start3A_73 : memref<32xf32, #tpu.memory_space<hbm>>) target_semaphore(%run_scoped3A : memref<!tpu.dma_semaphore, #tpu.memory_space<semaphore_mem>>)
      %dma_wait3A_74 = tpu.memref_slice %arg5[%mul3A_71] : memref<1024xf32, #tpu.memory_space<hbm>> -> memref<32xf32, #tpu.memory_space<hbm>>
      %dma_wait3A_75 = tpu.memref_slice %arg5[%mul3A_71] : memref<1024xf32, #tpu.memory_space<hbm>> -> memref<32xf32, #tpu.memory_space<hbm>>
      tpu.wait_dma2 semaphore(%run_scoped3A : memref<!tpu.dma_semaphore, #tpu.memory_space<semaphore_mem>>) src(%arg10 : memref<32xf32, #tpu.memory_space<vmem>>) dst(%dma_wait3A_75 : memref<32xf32, #tpu.memory_space<hbm>>)
      tpu.yield
    }) : () -> ()
    return
  }
}

</mosaic_0001>

<sc_bundles>
// kernel: kernel.3.cloned.1.call-start
scs
__scs_entry_jumppad:
0x0: {  	(pc) =	sbr.rel $0x88, $3  }
0x1: {  	(tag) =	ssettag $0x0;
	lr =	simm.s32 $0x1  }
0x2: {  	[smem:$0x3F9E] =	sst lr;
	_ =	strace $0xD0000000  }
0x3: {  	_ = 	snop  }
0x4: {  	_ = 	snop  }
0x5: {  	_ = 	snop  }
0x6: {  	_ = 	snop  }
0x7: {  	_ = 	snop  }
__scs_overlays_trampoline_lowered:
0x8: {  	[smem:$0x3FAD] =	sst s0  }
0x9: {  	[smem:$0x3FAE] =	sst s1  }
0xa: {  	[smem:$0x3FAF] =	sst s2  }
0xb: {  	[smem:$0x3FB0] =	sst s3  }
0xc: {  	[smem:$0x3FB1] =	sst s4  }
0xd: {  	[smem:$0x3FB2] =	sst s5  }
0xe: {  	[smem:$0x3FB3] =	sst s6  }
0xf: {  	[smem:$0x3FB4] =	sst s7  }
0x10: {  	[smem:$0x3FB5] =	sst s8  }
0x11: {  	[smem:$0x3FB6] =	sst s9;
	s0 =	simm.s32 @!p0 $0x0  }
0x12: {  	s1 =	sld [smem:$0x3F9C];
	s0 =	simm.s32 @p0 $0x1  }
0x13: {  	[smem:$0x3FB7] =	sst s0;
	s0 =	simm.s32 @!p1 $0x0  }
0x14: {  	s2 =	sld [smem:$0x3F9B];
	s0 =	simm.s32 @p1 $0x1  }
0x15: {  	[smem:$0x3FB8] =	sst s0;
	s0 =	simm.s32 @!p2 $0x0  }
0x16: {  	s3 =	sld [smem:$0x3FDB];
	s0 =	simm.s32 @p2 $0x1  }
0x17: {  	s4 =	simm.s32 $0x1BF5;
	[smem:$0x3FBA] =	sst s0  }
0x18: {  	s0 =	sld [smem:$0x3F9D];
	_ =	swait.ge [sflag:s4], $0x0  }
0x19: {  	s7 =	sld [smem:$0x3F9E]  }
0x1a: {  	s8 =	sadd.s32 $0xFFFFE003, lr  }
0x1b: {  	s9 =	sadd.s32 $0xFFFFFEF7, lr;
	s5 =	simm.s32 $0xFFFFFFFF;
	p2 =	slt.u32 s8, $0xFFFFF086  }
0x1c: {  	p1 =	slt.u32 s9, $0xF7A;
	s5 =	simm.s32 @!p2 $0x0  }
0x1d: {  	s5 =	simm.s32 @p1 $0x1;
	p0 =	seq.s32 s7, s2  }
0x1e: {  	s7 =	smul.u32 @!p0 $0xF7A, s2;
	p2 =	seq.s32 @!p0 s5, $0x0  }
0x1f: {  	s9 =	smul.u32 $0xF7A, s1;
	s8 =	simm.s32 @!p0 $0x1BF5;
	p2 =	por !p2, p0  }
0x20: {  	[sflag:s8] =	ssyncset.s32 @!p0 $0xFFFFF086;
	s6 =	sadd.s32 @!p0 s3, s7;
	s7 =	simm.s32 @!p0 $0x108  }
0x21: {  	s3 =	sadd.s32 s3, s9;
	s6 =	sadd.s32 @!p0 $0x88, s6;
	s7 =	simm.s32 @p2 $0x1082  }
0x22: {  	[simem:s7], [sflag:s8] =	dma.local @!p0 [hbm:s6], $0xF7A  }
0x23: {  	s9 =	sor.u32 $0xD0000000, s2;
	s6 =	simm.s32 $0x108;
	_ =	swait.ge @!p0 [sflag:s8], $0x0  }
0x24: {  	s3 =	sadd.s32 $0x88, s3;
	s6 =	simm.s32 @!p1 $0x1082;
	[sflag:s4] =	ssyncset.s32 $0xFFFFF086  }
0x25: {  	[simem:s6], [sflag:s4] =	dma.local [hbm:s3], $0xF7A  }
0x26: {  	[smem:$0x3F9E] =	sst s1;
	(tag) =	ssettag s2;
	_ =	strace s9  }
0x27: {  	s1 =	sld [smem:$0x3FAE]  }
0x28: {  	s2 =	sld [smem:$0x3FAF]  }
0x29: {  	s4 =	sld [smem:$0x3FB1]  }
0x2a: {  	p0 =	seq.s32 s5, $0x0;
	s5 =	sld [smem:$0x3FB2]  }
0x2b: {  	s6 =	sld [smem:$0x3FB3]  }
0x2c: {  	s7 =	sld [smem:$0x3FB4]  }
0x2d: {  	s3 =	simm.s32 $0x108;
	s8 =	sld [smem:$0x3FB5]  }
0x2e: {  	s3 =	simm.s32 @!p0 $0x1082;
	s9 =	sld [smem:$0x3FB6]  }
0x2f: {  	lr =	sadd.s32 s0, s3;
	s0 =	sld [smem:$0x3FAD]  }
0x30: {  	s3 =	sld [smem:$0x3FB0]  }
0x31: {  	[smem:$0x3FB9] =	sst s10  }
0x32: {  	s10 =	sld [smem:$0x3FB7];
	_ =	sdelay $0x3  }
0x33: {  	p0 =	seq.s32 s10, $0x1;
	s10 =	sld [smem:$0x3FB9];
	_ =	sdelay $0x3  }
0x34: {  	[smem:$0x3FB9] =	sst s10  }
0x35: {  	s10 =	sld [smem:$0x3FB8];
	_ =	sdelay $0x3  }
0x36: {  	p1 =	seq.s32 s10, $0x1;
	s10 =	sld [smem:$0x3FB9];
	_ =	sdelay $0x3  }
0x37: {  	[smem:$0x3FB9] =	sst s10  }
0x38: {  	s10 =	sld [smem:$0x3FBA]  }
0x39: {  	_ = 	snop;
	(pc) =	sbr.ind lr, $3  }
0x3a: {  	_ = 	snop  }
0x3b: {  	_ = 	snop  }
0x3c: {  	p2 =	seq.s32 s10, $0x1;
	s10 =	sld [smem:$0x3FB9]  }
0x3d: {  	_ =	shalt  }
0x3e: {  	_ =	shalt  }
0x3f: {  	_ =	shalt  }
0x40: {  	_ =	shalt  }
0x41: {  	_ =	shalt  }
0x42: {  	_ =	shalt  }
0x43: {  	_ =	shalt  }
0x44: {  	_ =	shalt  }
0x45: {  	_ =	shalt  }
0x46: {  	_ =	shalt  }
0x47: {  	_ =	shalt  }
0x48: {  	_ =	shalt  }
0x49: {  	_ =	shalt  }
0x4a: {  	_ =	shalt  }
0x4b: {  	_ =	shalt  }
0x4c: {  	_ =	shalt  }
0x4d: {  	_ =	shalt  }
0x4e: {  	_ =	shalt  }
0x4f: {  	_ =	shalt  }
0x50: {  	_ =	shalt  }
0x51: {  	_ =	shalt  }
0x52: {  	_ =	shalt  }
0x53: {  	_ =	shalt  }
0x54: {  	_ =	shalt  }
0x55: {  	_ =	shalt  }
0x56: {  	_ =	shalt  }
0x57: {  	_ =	shalt  }
0x58: {  	_ =	shalt  }
0x59: {  	_ =	shalt  }
0x5a: {  	_ =	shalt  }
0x5b: {  	_ =	shalt  }
0x5c: {  	_ =	shalt  }
0x5d: {  	_ =	shalt  }
0x5e: {  	_ =	shalt  }
0x5f: {  	_ =	shalt  }
0x60: {  	_ =	shalt  }
0x61: {  	_ =	shalt  }
0x62: {  	_ =	shalt  }
0x63: {  	_ =	shalt  }
0x64: {  	_ =	shalt  }
0x65: {  	_ =	shalt  }
0x66: {  	_ =	shalt  }
0x67: {  	_ =	shalt  }
0x68: {  	_ =	shalt  }
0x69: {  	_ =	shalt  }
0x6a: {  	_ =	shalt  }
0x6b: {  	_ =	shalt  }
0x6c: {  	_ =	shalt  }
0x6d: {  	_ =	shalt  }
0x6e: {  	_ =	shalt  }
0x6f: {  	_ =	shalt  }
0x70: {  	_ =	shalt  }
0x71: {  	_ =	shalt  }
0x72: {  	_ =	shalt  }
0x73: {  	_ =	shalt  }
0x74: {  	_ =	shalt  }
0x75: {  	_ =	shalt  }
0x76: {  	_ =	shalt  }
0x77: {  	_ =	shalt  }
0x78: {  	_ =	shalt  }
0x79: {  	_ =	shalt  }
0x7a: {  	_ =	shalt  }
0x7b: {  	_ =	shalt  }
0x7c: {  	_ =	shalt  }
0x7d: {  	_ =	shalt  }
0x7e: {  	_ =	shalt  }
0x7f: {  	_ =	shalt  }
0x80: {  	_ =	shalt  }
0x81: {  	_ =	shalt  }
0x82: {  	_ =	shalt  }
0x83: {  	_ =	shalt  }
0x84: {  	_ =	shalt  }
0x85: {  	_ =	shalt  }
0x86: {  	_ =	shalt  }
0x87: {  	_ =	shalt  }
.Lfunc_end0:
.L_simem_size_0:
called_computation_lowered:
.L_overlay_start_0:
0x88: {  	s2 =	sld [smem:$0x3FD9]  }
0x89: {  	s3 =	sld [smem:$0x3FFE];
	_ =	sdelay $0x1  }
0x8a: {  	s1 =	srdreg.scid  }
0x8b: {  	s0 =	sand.u32 $0x1, s1  }
0x8c: {  	s17 =	sshll.u32 s0, $0xA;
	s2 =	sadd.s32 s3, s2  }
0x8d: {  	s2 =	sadd.s32 s2, s17  }
0x8e: {  	[smem:$0x3FC5] =	sst s2  }
0x8f: {  	_ = 	snop  }
0x90: {  	s2 =	sld [smem:$0x3FD0];
	(tm) =	ssettm $0x1  }
0x91: {  	s18 =	sld [smem:$0x3FFB];
	_ =	sdelay $0x3  }
0x92: {  	_ =	strace s18  }
0x93: {  	s3 =	sld [smem:$0x3FFC];
	_ =	sdelay $0x3  }
0x94: {  	_ =	strace s3  }
0x95: {  	s3 =	sld [smem:$0x3FFD];
	_ =	sdelay $0x3  }
0x96: {  	_ =	strace s3  }
0x97: {  	_ =	strace $0x8FFFFFFF  }
0x98: {  	s19 =	sld [smem:$0x3FDB];
	_ =	sdelay $0x1  }
0x99: {  	s4 =	simm.s32 $_scs_section_size  }
0x9a: {  	s5 =	simm.s32 $_size__tile_overlayer_lowered;
	s6 =	simm.s32 $_tile_overlayer_lowered  }
0x9b: {  	s22 =	simm.s32 $0x1BFF;
	s21 =	sshll.u32 s6, $0x1;
	s3 =	sadd.s32 s4, s19  }
0x9c: {  	s7 =	simm.s32 $0x0;
	s20 =	sshll.u32 s5, $0x1;
	s5 =	sadd.s32 s21, s3  }
0x9d: {  	[timem:s7], [sflag:s22] =	dma.local [hbm:s5], s20  }
0x9e: {  	_ =	swait.ge [sflag:s22], s20  }
0x9f: {  	s4 =	ssub.s32 $0x0, s20;
	[sflag:s22] =	ssyncset.done $0x0  }
0xa0: {  	[sflag:s22] =	ssyncadd.s32 s4;
	_ =	sdelay $0x1  }
0xa1: {  	s23 =	simm.s32 $0x1B8B  }
0xa2: {  	_ =	swait.ge [sflag:s23], $0x1  }
0xa3: {  	[sflag:s23] =	ssyncset.done $0x0  }
0xa4: {  	s25 =	simm.s32 $0x1B8E;
	s24 =	sld [smem:$0x3FFE];
	[sflag:s23] =	ssyncadd.s32 $0xFFFFFFFF  }
0xa5: {  	s26 =	simm.s32 $execute0_lowered;
	[smem:$0x3FD2] =	sst s25  }
0xa6: {  	s5 =	sshll.u32 s26, $0x1;
	_ =	strace $0x80000046;
	[dreg:$0x1] =	wrdreg $0xFFFFFFFF  }
0xa7: {  	s28 =	simm.s32 $_size_execute0_lowered;
	s3 =	sadd.s32 s3, s5;
	[dreg:$0x0] =	wrdreg $0x0  }
0xa8: {  	s5 =	sshll.u32 s28, $0x1;
	[dreg:$0x2] =	wrdreg s3  }
0xa9: {  	[dreg:$0x3] =	wrdreg s5  }
0xaa: {  	[dreg:$0x4] =	wrdreg $0xC0  }
0xab: {  	_ =	task [dreg:s7], $0x5FFFF  }
0xac: {  	[dreg:$0x1] =	wrdreg $0xFFFFFFFF  }
0xad: {  	[dreg:$0x0] =	wrdreg $0x60  }
0xae: {  	[dreg:$0x2] =	wrdreg s24  }
0xaf: {  	[dreg:$0x3] =	wrdreg s2  }
0xb0: {  	[dreg:$0x4] =	wrdreg $0x9  }
0xb1: {  	_ =	task.clear_ibuf [dreg:s7], $0x5FFFF;
	_ =	strace $0x90000046  }
0xb2: {  	s29 =	simm.s32 $0x9;
	_ =	strace $0x80000048  }
0xb3: {  	_ =	swait.ge [sflag:s29], $0x1  }
0xb4: {  	[sflag:s29] =	ssyncadd.s32 $0xFFFFFFFF  }
0xb5: {  	_ =	strace $0x90000048  }
0xb6: {  	_ =	sfence  }
0xb7: {  	s30 =	sld [smem:$0x0];
	_ =	sdelay $0x2  }
0xb8: {  	s31 =	sshll.u32 s1, $0xD;
	s1 =	sshrl.u32 s1, $0x2  }
0xb9: {  	s3 =	sand.u32 $0x4000, s31;
	s1 =	sadd.s32 s1, s30  }
0xba: {  	s0 =	sor.u32 s3, s0;
	s1 =	sshll.u32 s1, $0x11  }
0xbb: {  	s0 =	sor.u32 s1, s0  }
0xbc: {  	s0 =	sadd.s32 $0x8F2B, s0  }
0xbd: {  	[sflag:s0] =	ssyncadd.remote.s32 $0x1  }
0xbe: {  	_ =	sfence.sel $0xFFFF  }
0xbf: {  	[dreg:$0x0] =	wrdreg $0xFFFFFFFF;
	(pc) =	sbr.abs _section_cstart, $3  }
0xc0: {  	[dreg:$0x1] =	wrdreg $0xFFFFFFFF  }
0xc1: {  	_ =	task.clear_ibuf [dreg:s7], $0x2FFFF;
	_ =	strace $0x9FFFFFFF  }
0xc2: {  	(tm) =	ssettm $0x7FFFFFFF  }
0xc3: {  	_ =	shalt  }
tec
execute0_lowered:
.L_overlay_start_1:
0x0: {  	(tag) =	ssettag $0x1  }
0x1: {  	s4 =	rddreg [dreg:$0x0]  }
0x2: {  	s1 =	srdreg.scid;
	s0 =	stileid.u32  }
0x3: {  	s6 =	rddreg [dreg:$0x1];
	s2 =	simm.s32 $0x0;
	s10 =	simm.s32 $0x19B00  }
0x4: {  	s11 =	simm.s32 $0xD00;
	s12 =	simm.s32 $0x1;
	s13 =	simm.s32 $0x19A80  }
0x5: {  	s14 =	simm.s32 $0x2;
	s5 =	sand.u32 $0x1, s1;
	s3 =	sshll.u32 s0, $0x1  }
0x6: {  	s15 =	simm.s32 $0x0;
	s1 =	rddreg [dreg:$0x2];
	s7 =	sor.u32 s5, s3  }
0x7: {  	[smem:$0x7FF] =	sst s2;
	s5 =	ssub.s32 $0x2, s5;
	s3 =	smul.u32 $0xD0, s7  }
0x8: {  	_ =	strace $0x80000047;
	s9 =	sshrl.u32 s5, $0x1;
	s7 =	sshll.u32 s7, $0x2  }
0x9: {  	v0 =	vimm.f32 $0.0e+00;
	v1 =	vlaneseq.u32;
	s9 =	ssub.s32 s5, s9;
	s6 =	sadd.s32 s6, s7;
	s8 =	sadd.s32 s3, s4  }
0xa: {  	v5 =	vimm.f32 $1.000000000e+00;
	vm0 =	vcmask $0x2F00;
	v2 =	vor.u32 $0x10, v1;
	s3 =	sadd.s32 $0x1C00, s4;
	s4 =	sadd.s32 $0x4E00, s4;
	s7 =	smax.u32 s9, $0x1  }
0xb: {  	v3 =	vor.u32 $0x20, v1;
	v4 =	vor.u32 $0x30, v1;
	v5 =	vsel vm0, $0x0, v5;
	s9 =	simm.s32 $0x680;
	s5 =	sadd.s32 $0x200, s8;
	s8 =	simm.s32 $0x3  }
.LBB2_1:
0xc: {  	[tilespmem:s2], [sflag:$0x3] =	stream.linear.gather [hbm4b:s5+s2], $0x680, $0x38;
	[tilespmem:$0x19B80] =	vst v63  }
0xd: {  	_ =	swait.ge [sflag:s8], $0x680  }
0xe: {  	[sflag:s8] =	ssyncset.done $0x0  }
0xf: {  	[sflag:s8] =	ssyncadd.s32 $0xFFFFF980  }
0x10: {  	[tilespmem:s9], [sflag:$0x1] =	stream.indirect.gather [hbm4b:s3+s9], $0x1, s2, s9, $0xb8;
	[tilespmem:$0x19B80] =	vst v63  }
0x11: {  	_ = 	snop  }
0x12: {  	[tilespmem:s10], [sflag:$0x2] =	stream.linear.gather [hbm4b:s4+s2], $0x80, $0x38;
	[tilespmem:$0x19B80] =	vst v63  }
0x13: {  	[tilespmem:$0x19A80] =	vst v0  }
0x14: {  	s16 =	simm.s32 $0xFFFFFFFE;
	s17 =	simm.s32 $0x34;
	s18 =	simm.s32 $0x19434;
	[tilespmem:$0x19A90] =	vst v0  }
.LBB2_2:
0x15: {  	v6 =	vld [tilespmem:s17+$0xFFFFFFCC]  }
0x16: {  	v7 =	vld [tilespmem:s17+$0xFFFFFFD6]  }
0x17: {  	v8 =	vld [tilespmem:s17+$0xFFFFFFE6]  }
0x18: {  	v9 =	vld [tilespmem:s17+$0xFFFFFFF0];
	_ =	sdelay $0x4  }
0x19: {  	[tilespmem:v6+s11+$0x0] =	vst.idx.msk $0xffff, v1  }
0x1a: {  	[tilespmem:v7+s11+$0x0] =	vst.idx.msk $0xffff, v2  }
0x1b: {  	[tilespmem:v8+s11+$0x0] =	vst.idx.msk $0xffff, v3  }
0x1c: {  	[tilespmem:v9+s11+$0x0] =	vst.idx.msk $0xffff, v4  }
0x1d: {  	v6 =	vld.idx.msk [tilespmem:v6+s11+$0x0], $0xffff;
	_ =	sdelay $0x4  }
0x1e: {  	vm0 =	veq.s32 v6, v1  }
0x1f: {  	v6 =	vsel vm0, $0x3F800000, v0  }
0x20: {  	[tilespmem:s18+$0xFFFFFFCC] =	vst v6  }
0x21: {  	v6 =	vld.idx.msk [tilespmem:v7+s11+$0x0], $0xffff;
	_ =	sdelay $0x4  }
0x22: {  	vm9 =	veq.s32 v6, v2  }
0x23: {  	v6 =	vsel vm9, $0x3F800000, v0  }
0x24: {  	[tilespmem:s18+$0xFFFFFFD6] =	vst v6  }
0x25: {  	v6 =	vld.idx.msk [tilespmem:v8+s11+$0x0], $0xffff;
	_ =	sdelay $0x4  }
0x26: {  	vm10 =	veq.s32 v6, v3  }
0x27: {  	v6 =	vsel vm10, $0xBF800000, v0  }
0x28: {  	[tilespmem:s18+$0xFFFFFFE6] =	vst v6  }
0x29: {  	v6 =	vld.idx.msk [tilespmem:v9+s11+$0x0], $0xffff;
	_ =	sdelay $0x4  }
0x2a: {  	vm11 =	veq.s32 v6, v4  }
0x2b: {  	v6 =	vsel vm11, $0xBF800000, v0  }
0x2c: {  	[tilespmem:s18+$0xFFFFFFF0] =	vst v6  }
0x2d: {  	v6 =	vld [tilespmem:s17+$0x0]  }
0x2e: {  	v7 =	vld [tilespmem:s17+$0xA]  }
0x2f: {  	v62 =	vld [tilespmem:s17+$0x1A]  }
0x30: {  	v63 =	vld [tilespmem:s17+$0x24];
	_ =	sdelay $0x4  }
0x31: {  	[tilespmem:v6+s11+$0x0] =	vst.idx.msk $0xffff, v1  }
0x32: {  	[tilespmem:v7+s11+$0x0] =	vst.idx.msk $0xffff, v2  }
0x33: {  	[tilespmem:v62+s11+$0x0] =	vst.idx.msk $0xffff, v3  }
0x34: {  	[tilespmem:v63+s11+$0x0] =	vst.idx.msk $0xffff, v4  }
0x35: {  	v6 =	vld.idx.msk [tilespmem:v6+s11+$0x0], $0xffff;
	_ =	sdelay $0x4  }
0x36: {  	vm12 =	veq.s32 v6, v1  }
0x37: {  	v6 =	vsel vm12, $0x3F800000, v0  }
0x38: {  	[tilespmem:s18+$0x0] =	vst v6  }
0x39: {  	v6 =	vld.idx.msk [tilespmem:v7+s11+$0x0], $0xffff;
	_ =	sdelay $0x4  }
0x3a: {  	vm13 =	veq.s32 v6, v2  }
0x3b: {  	v6 =	vsel vm13, $0x3F800000, v0  }
0x3c: {  	[tilespmem:s18+$0xA] =	vst v6  }
0x3d: {  	v6 =	vld.idx.msk [tilespmem:v62+s11+$0x0], $0xffff;
	_ =	sdelay $0x4  }
0x3e: {  	vm14 =	veq.s32 v6, v3  }
0x3f: {  	v6 =	vsel vm14, $0xBF800000, v0  }
0x40: {  	[tilespmem:s18+$0x1A] =	vst v6  }
0x41: {  	v6 =	vld.idx.msk [tilespmem:v63+s11+$0x0], $0xffff  }
0x42: {  	s16 =	sadd.s32 $0x2, s16  }
0x43: {  	p0 =	slt.u32 s16, $0x1E  }
.Ltmp0:
0x44: {  	_ = 	snop;
	(pc) =	sbr.rel @p0 .LBB2_2-.Ltmp0, $4  }
0x45: {  	_ = 	snop  }
0x46: {  	vm15 =	veq.s32 v6, v4  }
0x47: {  	v6 =	vsel vm15, $0xBF800000, v0  }
0x48: {  	s17 =	sadd.s32 $0x68, s17;
	[tilespmem:s18+$0x24] =	vst v6;
	s18 =	sadd.s32 $0x68, s18  }
0x49: {  	_ =	swait.ge [sflag:s12], $0x680  }
0x4a: {  	[sflag:s12] =	ssyncset.done $0x0  }
0x4b: {  	s16 =	simm.s32 $0x19434;
	[sflag:s12] =	ssyncadd.s32 $0xFFFFF980  }
0x4c: {  	s17 =	simm.s32 $0x6B4;
	v6 =	vld [tilespmem:s16+$0x20]  }
0x4d: {  	v7 =	vld [tilespmem:s17+$0x20]  }
0x4e: {  	v8 =	vld [tilespmem:s16+$0x0]  }
0x4f: {  	v9 =	vld [tilespmem:s17+$0x0]  }
0x50: {  	v10 =	vld [tilespmem:s16+$0x10]  }
0x51: {  	v11 =	vld [tilespmem:s17+$0x10]  }
0x52: {  	v12 =	vld [tilespmem:s16+$0x24]  }
0x53: {  	v13 =	vld [tilespmem:s17+$0x24]  }
0x54: {  	v14 =	vld [tilespmem:s17+$0xFFFFFFCC]  }
0x55: {  	v15 =	vld [tilespmem:s16+$0xFFFFFFDC]  }
0x56: {  	v16 =	vld [tilespmem:s16+$0xFFFFFFF0]  }
0x57: {  	v8 =	vmul.f32 v9, v8;
	v9 =	vmul.f32 v11, v10;
	v10 =	vld [tilespmem:s17+$0xFFFFFFDC]  }
0x58: {  	v11 =	vld [tilespmem:s16+$0xFFFFFFCC]  }
0x59: {  	v17 =	vld [tilespmem:s17+$0xFFFFFFF0]  }
0x5a: {  	s18 =	simm.s32 $0x1;
	v6 =	vmul.f32 v7, v6;
	v7 =	vmul.f32 v13, v12;
	v13 =	vld [tilespmem:s17+$0xFFFFFFEC];
	v8 =	vadd.f32 v9, v8  }
0x5b: {  	v12 =	vmov s18;
	v9 =	vld [tilespmem:s16+$0xFFFFFFEC]  }
0x5c: {  	v7 =	vmul.f32 v5, v7;
	s16 =	simm.s32 $0x1949C;
	v6 =	vadd.f32 v6, v8  }
0x5d: {  	v8 =	vld [tilespmem:s16+$0x0];
	v10 =	vmul.f32 v10, v15;
	v11 =	vmul.f32 v14, v11  }
0x5e: {  	s17 =	simm.s32 $0x71C;
	v7 =	vadd.f32 v7, v6;
	v6 =	vld [tilespmem:s16+$0x20]  }
0x5f: {  	v10 =	vadd.f32 v10, v11;
	v11 =	vld [tilespmem:s17+$0x0]  }
0x60: {  	v9 =	vmul.f32 v13, v9;
	v13 =	vmul.f32 v17, v16;
	[tilespmem:v12+s13+$0x0] =	vst.idx.add.f32.msk $0xffff, v7  }
0x61: {  	v7 =	vld [tilespmem:s17+$0x20]  }
0x62: {  	v12 =	vld [tilespmem:s16+$0x10];
	v9 =	vadd.f32 v9, v10;
	v10 =	vmul.f32 v5, v13  }
0x63: {  	s19 =	simm.s32 $0x0;
	s20 =	simm.s32 $0x4;
	s18 =	simm.s32 $0x2;
	v13 =	vld [tilespmem:s17+$0x10]  }
.LBB2_4:
0x64: {  	p0 =	slt.u32 s20, $0x1E;
	v14 =	vld [tilespmem:s16+$0x24];
	v9 =	vadd.f32 v10, v9  }
0x65: {  	v15 =	vmov s19;
	s19 =	smov.u32 s18;
	s18 =	smov.u32 s20;
	v10 =	vld [tilespmem:s17+$0x24]  }
0x66: {  	v15 =	vand.u32 $0xFFFFFFFE, v15;
	v16 =	vld [tilespmem:s17+$0xFFFFFFCC]  }
0x67: {  	v15 =	vbroadcast v15, $0x0;
	v17 =	vld [tilespmem:s16+$0xFFFFFFDC]  }
0x68: {  	v8 =	vmul.f32 v11, v8;
	v18 =	vld [tilespmem:s17+$0xFFFFFFDC];
	v11 =	vmul.f32 v13, v12  }
0x69: {  	v12 =	vld [tilespmem:s16+$0xFFFFFFCC]  }
0x6a: {  	v6 =	vmul.f32 v7, v6;
	s21 =	sadd.s32 $0x1, s19;
	v13 =	vld [tilespmem:s16+$0xFFFFFFEC];
	v8 =	vadd.f32 v11, v8;
	v7 =	vmul.f32 v10, v14  }
0x6b: {  	v11 =	vmov s21;
	v10 =	vld [tilespmem:s17+$0xFFFFFFEC]  }
0x6c: {  	v14 =	vld [tilespmem:s16+$0xFFFFFFF0];
	v6 =	vadd.f32 v6, v8;
	v7 =	vmul.f32 v5, v7  }
0x6d: {  	v8 =	vmul.f32 v18, v17;
	v17 =	vld [tilespmem:s17+$0xFFFFFFF0]  }
0x6e: {  	s16 =	sadd.s32 $0x68, s16;
	v12 =	vmul.f32 v16, v12;
	v7 =	vadd.f32 v7, v6;
	[tilespmem:v15+s13+$0x0] =	vst.idx.add.f32.msk $0xffff, v9  }
0x6f: {  	v6 =	vld [tilespmem:s16+$0x20]  }
0x70: {  	s17 =	sadd.s32 $0x68, s17;
	v9 =	vadd.f32 v8, v12;
	v10 =	vmul.f32 v10, v13;
	[tilespmem:v11+s13+$0x0] =	vst.idx.add.f32.msk $0xffff, v7  }
.Ltmp1:
0x71: {  	v7 =	vld [tilespmem:s17+$0x20];
	(pc) =	sbr.rel @p0 .LBB2_4-.Ltmp1, $4  }
0x72: {  	v8 =	vld [tilespmem:s16+$0x0];
	v9 =	vadd.f32 v10, v9;
	v10 =	vmul.f32 v17, v14  }
0x73: {  	v11 =	vld [tilespmem:s17+$0x0]  }
0x74: {  	v12 =	vld [tilespmem:s16+$0x10];
	v10 =	vmul.f32 v5, v10  }
0x75: {  	s20 =	sadd.s32 $0x2, s20;
	v13 =	vld [tilespmem:s17+$0x10]  }
0x76: {  	v14 =	vld [tilespmem:s16+$0x24]  }
0x77: {  	v15 =	vld [tilespmem:s17+$0x24]  }
0x78: {  	v16 =	vld [tilespmem:s17+$0xFFFFFFCC]  }
0x79: {  	v17 =	vld [tilespmem:s16+$0xFFFFFFDC]  }
0x7a: {  	v18 =	vld [tilespmem:s17+$0xFFFFFFDC]  }
0x7b: {  	v19 =	vld [tilespmem:s16+$0xFFFFFFCC]  }
0x7c: {  	v20 =	vld [tilespmem:s16+$0xFFFFFFEC]  }
0x7d: {  	v21 =	vld [tilespmem:s17+$0xFFFFFFEC]  }
0x7e: {  	v52 =	vld [tilespmem:s16+$0xFFFFFFF0];
	v6 =	vmul.f32 v7, v6;
	v7 =	vmov s19  }
0x7f: {  	v53 =	vld [tilespmem:s17+$0xFFFFFFF0];
	v7 =	vand.u32 $0xFFFFFFFE, v7  }
0x80: {  	v8 =	vmul.f32 v11, v8;
	v7 =	vbroadcast v7, $0x0  }
0x81: {  	s31 =	sadd.s32 $0x1, s18;
	v57 =	vmov s18;
	v51 =	vmul.f32 v13, v12;
	v54 =	vmul.f32 v15, v14  }
0x82: {  	v59 =	vmov s31;
	v55 =	vmul.f32 v18, v17;
	v56 =	vmul.f32 v16, v19  }
0x83: {  	v58 =	vmul.f32 v21, v20;
	v16 =	vand.u32 $0xFFFFFFFE, v57;
	v8 =	vadd.f32 v51, v8  }
0x84: {  	v12 =	vmul.f32 v53, v52;
	v60 =	vbroadcast v16, $0x0;
	v14 =	vadd.f32 v55, v56  }
0x85: {  	v61 =	vmul.f32 v5, v54;
	v6 =	vadd.f32 v6, v8  }
0x86: {  	v9 =	vadd.f32 v10, v9;
	v63 =	vmul.f32 v5, v12;
	v62 =	vadd.f32 v58, v14  }
0x87: {  	v6 =	vadd.f32 v61, v6  }
0x88: {  	[tilespmem:v7+s13+$0x0] =	vst.idx.add.f32.msk $0xffff, v9;
	v7 =	vadd.f32 v63, v62  }
0x89: {  	[tilespmem:v59+s13+$0x0] =	vst.idx.add.f32.msk $0xffff, v6  }
0x8a: {  	[tilespmem:v60+s13+$0x0] =	vst.idx.add.f32.msk $0xffff, v7  }
0x8b: {  	_ =	swait.ge [sflag:s14], $0x80  }
0x8c: {  	[sflag:s14] =	ssyncset.done $0x0  }
0x8d: {  	[sflag:s14] =	ssyncadd.s32 $0xFFFFFF80  }
0x8e: {  	v6 =	vld [tilespmem:$0x19B00]  }
0x8f: {  	v7 =	vld [tilespmem:$0x19A80];
	_ =	sdelay $0x4  }
0x90: {  	v7 =	vadd.f32 v7, v6;
	_ =	sdelay $0x1  }
0x91: {  	v7 =	vsub.f32 $0.0e+00, v7;
	_ =	sdelay $0x1  }
0x92: {  	v7 =	vmul.f32 $1.442695020e+00, v7;
	_ =	sdelay $0x1  }
0x93: {  	(erf) = vpow2.f32 v7;
	_ =	sdelay $0x1  }
0x94: {  	v7 =	vld [tilespmem:$0x19A90];
	_ =	sdelay $0x4  }
0x95: {  	v6 =	vadd.f32 v7, v6;
	_ =	sdelay $0x1  }
0x96: {  	v6 =	vsub.f32 $0.0e+00, v6;
	v7 =	vpop (erf)  }
0x97: {  	v7 =	vadd.f32 $1.000000000e+00, v7  }
0x98: {  	v6 =	vmul.f32 $1.442695020e+00, v6  }
0x99: {  	(erf) = vrcp.f32 v7  }
0x9a: {  	(erf) = vpow2.f32 v6;
	_ =	sdelay $0x7  }
0x9b: {  	v6 =	vpop (erf)  }
0x9c: {  	v7 =	vpop (erf)  }
0x9d: {  	v7 =	vadd.f32 $1.000000000e+00, v7;
	_ =	sdelay $0x1  }
0x9e: {  	(erf) = vrcp.f32 v7;
	_ =	sdelay $0x7  }
0x9f: {  	s15 =	sadd.s32 $0x1, s15  }
0xa0: {  	p0 =	sne.s32 s15, s7;
	[tilespmem:$0x19A80] =	vst v6;
	v6 =	vpop (erf)  }
.Ltmp2:
0xa1: {  	[tilespmem:$0x19A90] =	vst v6;
	(pc) =	sbr.rel @p0 .LBB2_1-.Ltmp2, $4  }
0xa2: {  	[hbm4b:s6+s2] =	stream.linear.scatter [tilespmem:s13], [sflag:$0x3], $0x20, $0x38;
	[tilespmem:$0x19B80] =	vst v63  }
0xa3: {  	_ =	swait.ge [sflag:s8], $0x20  }
0xa4: {  	[sflag:s8] =	ssyncset.done $0x0  }
0xa5: {  	[sflag:s8] =	ssyncadd.s32 $0xFFFFFFE0  }
0xa6: {  	_ =	sfence.sel $0x180000  }
0xa7: {  	[bflag:$0x0] =	sbarrier.arrive $0xFFFF  }
0xa8: {  	p0 =	sne.s32 s0, $0x0;
	_ =	strace $0x90000047  }
0xa9: {  	s0 =	sadd.s32 @!p0 $0x100000, s1;
	[bflag:$0x2] =	sbarrier.arrive $0xFFFF  }
0xaa: {  	[sflag:s0] =	ssyncadd.tile.s32 @!p0 $0x1;
	_ =	shalt  }
.Lfunc_end2:
_tile_overlayer_lowered:
.L_overlay_start_2:
0xab: {  	(tag) =	ssettag $0x2  }
0xac: {  	s0 =	rddreg [dreg:$0x0];
	s2 =	stileid.u32  }
0xad: {  	s1 =	rddreg [dreg:$0x1];
	p0 =	sne.s32 s2, $0x0  }
0xae: {  	s3 =	rddreg [dreg:$0x2];
	[bflag:$0x3] =	sbarrier.arrive $0xFFFF;
	s2 =	simm.s32 @!p0 $0x1C03  }
0xaf: {  	[timem:s3], [sflag:s2] =	dma.local @!p0 [hbm:s0], s1  }
0xb0: {  	s0 =	simm.s32 @!p0 $0x3  }
0xb1: {  	_ =	swait.ge @!p0 [sflag:s0], s1  }
0xb2: {  	s1 =	ssub.s32 @!p0 $0x0, s1;
	[sflag:s0] =	ssyncset.done @!p0 $0x0  }
0xb3: {  	[sflag:s0] =	ssyncadd.s32 @!p0 s1  }
0xb4: {  	[bflag:$0x3] =	sbarrier.arrive $0xFFFF  }
0xb5: {  	_ =	shalt  }

</sc_bundles>
